<compile_context>
chip_gen: v7x
topology: tpu7x:2x2x1
jax: 0.10.2.dev20260603
libtpu: 0.0.44.dev20260713+nightly
codegen_flags: <defaults>
</compile_context>

<pallas_src>
import jax
import jax.numpy as jnp
from jax import lax
from jax.experimental import pallas as pl
from jax.experimental.pallas import tpu as pltpu
from jax.experimental.pallas import tpu_sc as plsc

B = 16384
D = 128
L = 16
NC = 1
NS = 16
NW = NC * NS
SC_ROWS = 2048
ROWS_W = SC_ROWS // NW
GROUPS = ROWS_W // L
KV = D // L
TC_BLK = 4096


def _tree_sum(vs):
    vs = list(vs)
    while len(vs) > 1:
        nxt = [vs[i] + vs[i + 1] for i in range(0, len(vs) - 1, 2)]
        if len(vs) % 2:
            nxt.append(vs[-1])
        vs = nxt
    return vs[0]


def _sc_body(gum_hbm, gim_hbm, out_hbm, gu_v, gi_v, dots_v, part_v,
             sem_u, sem_i):
    wid = lax.axis_index("s") * NC + lax.axis_index("c")
    base = wid * ROWS_W
    col = lax.iota(jnp.int32, L) * L

    cp_u = pltpu.make_async_copy(
        gum_hbm.at[pl.ds(base, ROWS_W), :], gu_v, sem_u)
    cp_i = pltpu.make_async_copy(
        gim_hbm.at[pl.ds(base, ROWS_W), :], gi_v, sem_i)
    cp_u.start()
    cp_i.start()
    cp_u.wait()
    cp_i.wait()

    def group_body(g, carry):
        def quad_body(q, carry2):
            for r4 in range(4):
                row = g * L + q * 4 + r4
                prods = [gu_v[row, pl.ds(k * L, L)]
                         * gi_v[row, pl.ds(k * L, L)]
                         for k in range(KV)]
                part_v[pl.ds((q * 4 + r4) * L, L)] = _tree_sum(prods)
            return carry2

        lax.fori_loop(0, 4, quad_body, 0)
        dots = _tree_sum(plsc.load_gather(part_v, [col + j])
                         for j in range(L))
        dots_v[pl.ds(g * L, L)] = dots
        return carry

    lax.fori_loop(0, GROUPS, group_body, 0)
    pltpu.sync_copy(dots_v, out_hbm.at[pl.ds(base, ROWS_W)])


def _tc_body(a_ref, b_ref, ao_ref, bo_ref, do_ref):
    a = a_ref[...]
    b = b_ref[...]
    ao_ref[...] = a
    bo_ref[...] = b
    do_ref[...] = jnp.sum(a * b, axis=1)


def _tc_copy_dot(gum, gim):
    return pl.pallas_call(
        _tc_body,
        grid=(B // TC_BLK,),
        in_specs=[pl.BlockSpec((TC_BLK, D), lambda i: (i, 0)),
                  pl.BlockSpec((TC_BLK, D), lambda i: (i, 0))],
        out_specs=[pl.BlockSpec((TC_BLK, D), lambda i: (i, 0)),
                   pl.BlockSpec((TC_BLK, D), lambda i: (i, 0)),
                   pl.BlockSpec((TC_BLK,), lambda i: (i,))],
        out_shape=[jax.ShapeDtypeStruct((B, D), jnp.float32),
                   jax.ShapeDtypeStruct((B, D), jnp.float32),
                   jax.ShapeDtypeStruct((B,), jnp.float32)],
        compiler_params=pltpu.CompilerParams(
            dimension_semantics=("arbitrary",)),
    )(gum, gim)


def kernel(gum, gim):
    mesh = plsc.VectorSubcoreMesh(core_axis_name="c", subcore_axis_name="s", num_cores=1)
    xui_sc = pl.kernel(
        _sc_body,
        mesh=mesh,
        compiler_params=pltpu.CompilerParams(needs_layout_passes=False),
        out_type=jax.ShapeDtypeStruct((SC_ROWS,), jnp.float32),
        scratch_types=[
            pltpu.VMEM((ROWS_W, D), jnp.float32),
            pltpu.VMEM((ROWS_W, D), jnp.float32),
            pltpu.VMEM((ROWS_W,), jnp.float32),
            pltpu.VMEM((L * L,), jnp.float32),
            pltpu.SemaphoreType.DMA,
            pltpu.SemaphoreType.DMA,
        ],
    )(gum, gim)
    gum_c, gim_c, xui_tc = _tc_copy_dot(gum, gim)
    xui = lax.dynamic_update_slice(xui_tc, xui_sc, (0,))
    return (xui, gum_c, gim_c)

# --- scband reference (transcript-rebuilt; emitter-appended) ---
"""Pipeline reference for scband-latticemodel-87935160418510 (READ-ONLY COPY).

The authoritative reference and input builder live on the scoring server;
editing this copy changes nothing except your own understanding.
"""

import jax, jax.numpy as jnp
import numpy as np

B = 16384
D = 128

def setup_inputs(seed: int = 0) -> dict:
    key = jax.random.key(seed)
    k1, k2 = jax.random.split(key)
    gum = jax.random.normal(k1, (B, D), dtype=jnp.float32)
    gim = jax.random.normal(k2, (B, D), dtype=jnp.float32)
    return {"gum": gum, "gim": gim}

def reference(gum, gim):
    # Faithful translation of LATTICEModel.forward(inputs=(gum, gim)):
    #   gamma_u_m = squeeze(gum); gamma_i_m = squeeze(gim)
    #   xui = sum(gamma_u_m * gamma_i_m, dim=1)
    gamma_u_m = jnp.squeeze(gum)
    gamma_i_m = jnp.squeeze(gim)
    xui = jnp.sum(gamma_u_m * gamma_i_m, axis=1)
    return (xui, gamma_u_m, gamma_i_m)

if __name__ == "__main__":
    import jax
    _d = setup_inputs()
    print(jax.jit(kernel)(*tuple(_d.values())))

</pallas_src>

<mosaic_0001>
#map = affine_map<(d0, d1) -> (0, 0)>
#map1 = affine_map<(d0, d1) -> (0)>
module attributes {stable_mosaic.version = 14 : i64} {
  func.func @_sc_body(%arg0: i32, %arg1: i32, %arg2: memref<16384x128xf32, #tpu.memory_space<hbm>>, %arg3: memref<16384x128xf32, #tpu.memory_space<hbm>>, %arg4: memref<2048xf32, #tpu.memory_space<hbm>>, %arg5: memref<128x128xf32, #tpu.memory_space<vmem>>, %arg6: memref<128x128xf32, #tpu.memory_space<vmem>>, %arg7: memref<128xf32, #tpu.memory_space<vmem>>, %arg8: memref<256xf32, #tpu.memory_space<vmem>>, %arg9: memref<!tpu.dma_semaphore, #tpu.memory_space<semaphore_mem>>, %arg10: memref<!tpu.dma_semaphore, #tpu.memory_space<semaphore_mem>>) attributes {dimension_semantics = [#tpu.dimension_semantics<core_parallel>, #tpu.dimension_semantics<subcore_parallel>], iteration_bounds = array<i64: 1, 16>, scalar_prefetch = 0 : i64, scratch_operands = 6 : i64, tpu.core_type = #tpu.core_type<sc_vector_subcore>, window_params = [{transform_indices = #map}, {transform_indices = #map}, {transform_indices = #map1}]} {
    %mul3A = arith.constant 1 : i32
    %mul3A_0 = arith.muli %arg1, %mul3A : i32
    %add3A = arith.addi %mul3A_0, %arg0 : i32
    %mul3A_1 = arith.constant 128 : i32
    %mul3A_2 = arith.muli %add3A, %mul3A_1 : i32
    %iota3A = tpu.iota {dimensions = array<i32: 0>} : vector<16xi32>
    %mul3A_3 = arith.constant 16 : i32
    %mul3A_4 = vector.broadcast %mul3A_3 : i32 to vector<16xi32>
    %mul3A_5 = arith.muli %iota3A, %mul3A_4 : vector<16xi32>
    %dma_start3A = arith.constant 0 : i32
    %dma_start3A_6 = tpu.memref_slice %arg2[%mul3A_2, %dma_start3A] : memref<16384x128xf32, #tpu.memory_space<hbm>> -> memref<128x128xf32, #tpu.memory_space<hbm>>
    %dma_start3A_7 = arith.constant 0 : i32
    %dma_start3A_8 = tpu.memref_slice %arg2[%mul3A_2, %dma_start3A_7] : memref<16384x128xf32, #tpu.memory_space<hbm>> -> memref<128x128xf32, #tpu.memory_space<hbm>>
    tpu.enqueue_dma source(%dma_start3A_8 : memref<128x128xf32, #tpu.memory_space<hbm>>) target(%arg5 : memref<128x128xf32, #tpu.memory_space<vmem>>) target_semaphore(%arg9 : memref<!tpu.dma_semaphore, #tpu.memory_space<semaphore_mem>>)
    %dma_start3A_9 = arith.constant 0 : i32
    %dma_start3A_10 = tpu.memref_slice %arg3[%mul3A_2, %dma_start3A_9] : memref<16384x128xf32, #tpu.memory_space<hbm>> -> memref<128x128xf32, #tpu.memory_space<hbm>>
    %dma_start3A_11 = arith.constant 0 : i32
    %dma_start3A_12 = tpu.memref_slice %arg3[%mul3A_2, %dma_start3A_11] : memref<16384x128xf32, #tpu.memory_space<hbm>> -> memref<128x128xf32, #tpu.memory_space<hbm>>
    tpu.enqueue_dma source(%dma_start3A_12 : memref<128x128xf32, #tpu.memory_space<hbm>>) target(%arg6 : memref<128x128xf32, #tpu.memory_space<vmem>>) target_semaphore(%arg10 : memref<!tpu.dma_semaphore, #tpu.memory_space<semaphore_mem>>)
    %dma_wait3A = arith.constant 0 : i32
    %dma_wait3A_13 = tpu.memref_slice %arg2[%mul3A_2, %dma_wait3A] : memref<16384x128xf32, #tpu.memory_space<hbm>> -> memref<128x128xf32, #tpu.memory_space<hbm>>
    %dma_wait3A_14 = arith.constant 0 : i32
    %dma_wait3A_15 = tpu.memref_slice %arg2[%mul3A_2, %dma_wait3A_14] : memref<16384x128xf32, #tpu.memory_space<hbm>> -> memref<128x128xf32, #tpu.memory_space<hbm>>
    tpu.wait_dma2 semaphore(%arg9 : memref<!tpu.dma_semaphore, #tpu.memory_space<semaphore_mem>>) src(%dma_wait3A_15 : memref<128x128xf32, #tpu.memory_space<hbm>>) dst(%arg5 : memref<128x128xf32, #tpu.memory_space<vmem>>)
    %dma_wait3A_16 = arith.constant 0 : i32
    %dma_wait3A_17 = tpu.memref_slice %arg3[%mul3A_2, %dma_wait3A_16] : memref<16384x128xf32, #tpu.memory_space<hbm>> -> memref<128x128xf32, #tpu.memory_space<hbm>>
    %dma_wait3A_18 = arith.constant 0 : i32
    %dma_wait3A_19 = tpu.memref_slice %arg3[%mul3A_2, %dma_wait3A_18] : memref<16384x128xf32, #tpu.memory_space<hbm>> -> memref<128x128xf32, #tpu.memory_space<hbm>>
    tpu.wait_dma2 semaphore(%arg10 : memref<!tpu.dma_semaphore, #tpu.memory_space<semaphore_mem>>) src(%dma_wait3A_19 : memref<128x128xf32, #tpu.memory_space<hbm>>) dst(%arg6 : memref<128x128xf32, #tpu.memory_space<vmem>>)
    %scan3A = arith.constant 0 : i32
    %scan3A_20 = arith.constant 0 : i32
    %scan3A_21 = arith.constant 8 : i32
    %scan3A_22 = arith.addi %scan3A_20, %scan3A_21 : i32
    %scan3A_23 = arith.constant 1 : i32
    scf.for %scan3A_25 = %scan3A_20 to %scan3A_22 step %scan3A_23  : i32 {
      %scan3A_26 = arith.constant 0 : i32
      %scan3A_27 = arith.constant 0 : i32
      %scan3A_28 = arith.constant 4 : i32
      %scan3A_29 = arith.addi %scan3A_27, %scan3A_28 : i32
      %scan3A_30 = arith.constant 1 : i32
      scf.for %scan3A_113 = %scan3A_27 to %scan3A_29 step %scan3A_30  : i32 {
        %mul3A_114 = arith.constant 16 : i32
        %mul3A_115 = arith.muli %scan3A_25, %mul3A_114 : i32
        %mul3A_116 = arith.constant 4 : i32
        %mul3A_117 = arith.muli %scan3A_113, %mul3A_116 : i32
        %add3A_118 = arith.addi %mul3A_115, %mul3A_117 : i32
        %add3A_119 = arith.constant 0 : i32
        %add3A_120 = arith.addi %add3A_118, %add3A_119 : i32
        %get3A = arith.index_cast %add3A_120 : i32 to index
        %get3A_121 = arith.constant 0 : index
        %get3A_122 = tpu.vector_load %arg5[%get3A, %get3A_121] {strides = array<i32>} : memref<128x128xf32, #tpu.memory_space<vmem>>, vector<16xf32>,
        %get3A_123 = arith.index_cast %add3A_120 : i32 to index
        %get3A_124 = arith.constant 0 : index
        %get3A_125 = tpu.vector_load %arg6[%get3A_123, %get3A_124] {strides = array<i32>} : memref<128x128xf32, #tpu.memory_space<vmem>>, vector<16xf32>,
        %mul3A_126 = arith.mulf %get3A_122, %get3A_125 : vector<16xf32>
        %get3A_127 = arith.index_cast %add3A_120 : i32 to index
        %get3A_128 = arith.constant 16 : index
        %get3A_129 = tpu.vector_load %arg5[%get3A_127, %get3A_128] {strides = array<i32>} : memref<128x128xf32, #tpu.memory_space<vmem>>, vector<16xf32>,
        %get3A_130 = arith.index_cast %add3A_120 : i32 to index
        %get3A_131 = arith.constant 16 : index
        %get3A_132 = tpu.vector_load %arg6[%get3A_130, %get3A_131] {strides = array<i32>} : memref<128x128xf32, #tpu.memory_space<vmem>>, vector<16xf32>,
        %mul3A_133 = arith.mulf %get3A_129, %get3A_132 : vector<16xf32>
        %get3A_134 = arith.index_cast %add3A_120 : i32 to index
        %get3A_135 = arith.constant 32 : index
        %get3A_136 = tpu.vector_load %arg5[%get3A_134, %get3A_135] {strides = array<i32>} : memref<128x128xf32, #tpu.memory_space<vmem>>, vector<16xf32>,
        %get3A_137 = arith.index_cast %add3A_120 : i32 to index
        %get3A_138 = arith.constant 32 : index
        %get3A_139 = tpu.vector_load %arg6[%get3A_137, %get3A_138] {strides = array<i32>} : memref<128x128xf32, #tpu.memory_space<vmem>>, vector<16xf32>,
        %mul3A_140 = arith.mulf %get3A_136, %get3A_139 : vector<16xf32>
        %get3A_141 = arith.index_cast %add3A_120 : i32 to index
        %get3A_142 = arith.constant 48 : index
        %get3A_143 = tpu.vector_load %arg5[%get3A_141, %get3A_142] {strides = array<i32>} : memref<128x128xf32, #tpu.memory_space<vmem>>, vector<16xf32>,
        %get3A_144 = arith.index_cast %add3A_120 : i32 to index
        %get3A_145 = arith.constant 48 : index
        %get3A_146 = tpu.vector_load %arg6[%get3A_144, %get3A_145] {strides = array<i32>} : memref<128x128xf32, #tpu.memory_space<vmem>>, vector<16xf32>,
        %mul3A_147 = arith.mulf %get3A_143, %get3A_146 : vector<16xf32>
        %get3A_148 = arith.index_cast %add3A_120 : i32 to index
        %get3A_149 = arith.constant 64 : index
        %get3A_150 = tpu.vector_load %arg5[%get3A_148, %get3A_149] {strides = array<i32>} : memref<128x128xf32, #tpu.memory_space<vmem>>, vector<16xf32>,
        %get3A_151 = arith.index_cast %add3A_120 : i32 to index
        %get3A_152 = arith.constant 64 : index
        %get3A_153 = tpu.vector_load %arg6[%get3A_151, %get3A_152] {strides = array<i32>} : memref<128x128xf32, #tpu.memory_space<vmem>>, vector<16xf32>,
        %mul3A_154 = arith.mulf %get3A_150, %get3A_153 : vector<16xf32>
        %get3A_155 = arith.index_cast %add3A_120 : i32 to index
        %get3A_156 = arith.constant 80 : index
        %get3A_157 = tpu.vector_load %arg5[%get3A_155, %get3A_156] {strides = array<i32>} : memref<128x128xf32, #tpu.memory_space<vmem>>, vector<16xf32>,
        %get3A_158 = arith.index_cast %add3A_120 : i32 to index
        %get3A_159 = arith.constant 80 : index
        %get3A_160 = tpu.vector_load %arg6[%get3A_158, %get3A_159] {strides = array<i32>} : memref<128x128xf32, #tpu.memory_space<vmem>>, vector<16xf32>,
        %mul3A_161 = arith.mulf %get3A_157, %get3A_160 : vector<16xf32>
        %get3A_162 = arith.index_cast %add3A_120 : i32 to index
        %get3A_163 = arith.constant 96 : index
        %get3A_164 = tpu.vector_load %arg5[%get3A_162, %get3A_163] {strides = array<i32>} : memref<128x128xf32, #tpu.memory_space<vmem>>, vector<16xf32>,
        %get3A_165 = arith.index_cast %add3A_120 : i32 to index
        %get3A_166 = arith.constant 96 : index
        %get3A_167 = tpu.vector_load %arg6[%get3A_165, %get3A_166] {strides = array<i32>} : memref<128x128xf32, #tpu.memory_space<vmem>>, vector<16xf32>,
        %mul3A_168 = arith.mulf %get3A_164, %get3A_167 : vector<16xf32>
        %get3A_169 = arith.index_cast %add3A_120 : i32 to index
        %get3A_170 = arith.constant 112 : index
        %get3A_171 = tpu.vector_load %arg5[%get3A_169, %get3A_170] {strides = array<i32>} : memref<128x128xf32, #tpu.memory_space<vmem>>, vector<16xf32>,
        %get3A_172 = arith.index_cast %add3A_120 : i32 to index
        %get3A_173 = arith.constant 112 : index
        %get3A_174 = tpu.vector_load %arg6[%get3A_172, %get3A_173] {strides = array<i32>} : memref<128x128xf32, #tpu.memory_space<vmem>>, vector<16xf32>,
        %mul3A_175 = arith.mulf %get3A_171, %get3A_174 : vector<16xf32>
        %add3A_176 = arith.addf %mul3A_126, %mul3A_133 : vector<16xf32>
        %add3A_177 = arith.addf %mul3A_140, %mul3A_147 : vector<16xf32>
        %add3A_178 = arith.addf %mul3A_154, %mul3A_161 : vector<16xf32>
        %add3A_179 = arith.addf %mul3A_168, %mul3A_175 : vector<16xf32>
        %add3A_180 = arith.addf %add3A_176, %add3A_177 : vector<16xf32>
        %add3A_181 = arith.addf %add3A_178, %add3A_179 : vector<16xf32>
        %add3A_182 = arith.addf %add3A_180, %add3A_181 : vector<16xf32>
        %mul3A_183 = arith.constant 4 : i32
        %mul3A_184 = arith.muli %scan3A_113, %mul3A_183 : i32
        %add3A_185 = arith.constant 0 : i32
        %add3A_186 = arith.addi %mul3A_184, %add3A_185 : i32
        %mul3A_187 = arith.constant 16 : i32
        %mul3A_188 = arith.muli %add3A_186, %mul3A_187 : i32
        %swap3A_189 = arith.index_cast %mul3A_188 : i32 to index
        %swap3A_190 = tpu.vector_load %arg8[%swap3A_189] {strides = array<i32>} : memref<256xf32, #tpu.memory_space<vmem>>, vector<16xf32>,
        tpu.vector_store %arg8[%swap3A_189], %add3A_182 {strides = array<i32>} : memref<256xf32, #tpu.memory_space<vmem>>, vector<16xf32>,
        %mul3A_191 = arith.constant 16 : i32
        %mul3A_192 = arith.muli %scan3A_25, %mul3A_191 : i32
        %mul3A_193 = arith.constant 4 : i32
        %mul3A_194 = arith.muli %scan3A_113, %mul3A_193 : i32
        %add3A_195 = arith.addi %mul3A_192, %mul3A_194 : i32
        %add3A_196 = arith.constant 1 : i32
        %add3A_197 = arith.addi %add3A_195, %add3A_196 : i32
        %get3A_198 = arith.index_cast %add3A_197 : i32 to index
        %get3A_199 = arith.constant 0 : index
        %get3A_200 = tpu.vector_load %arg5[%get3A_198, %get3A_199] {strides = array<i32>} : memref<128x128xf32, #tpu.memory_space<vmem>>, vector<16xf32>,
        %get3A_201 = arith.index_cast %add3A_197 : i32 to index
        %get3A_202 = arith.constant 0 : index
        %get3A_203 = tpu.vector_load %arg6[%get3A_201, %get3A_202] {strides = array<i32>} : memref<128x128xf32, #tpu.memory_space<vmem>>, vector<16xf32>,
        %mul3A_204 = arith.mulf %get3A_200, %get3A_203 : vector<16xf32>
        %get3A_205 = arith.index_cast %add3A_197 : i32 to index
        %get3A_206 = arith.constant 16 : index
        %get3A_207 = tpu.vector_load %arg5[%get3A_205, %get3A_206] {strides = array<i32>} : memref<128x128xf32, #tpu.memory_space<vmem>>, vector<16xf32>,
        %get3A_208 = arith.index_cast %add3A_197 : i32 to index
        %get3A_209 = arith.constant 16 : index
        %get3A_210 = tpu.vector_load %arg6[%get3A_208, %get3A_209] {strides = array<i32>} : memref<128x128xf32, #tpu.memory_space<vmem>>, vector<16xf32>,
        %mul3A_211 = arith.mulf %get3A_207, %get3A_210 : vector<16xf32>
        %get3A_212 = arith.index_cast %add3A_197 : i32 to index
        %get3A_213 = arith.constant 32 : index
        %get3A_214 = tpu.vector_load %arg5[%get3A_212, %get3A_213] {strides = array<i32>} : memref<128x128xf32, #tpu.memory_space<vmem>>, vector<16xf32>,
        %get3A_215 = arith.index_cast %add3A_197 : i32 to index
        %get3A_216 = arith.constant 32 : index
        %get3A_217 = tpu.vector_load %arg6[%get3A_215, %get3A_216] {strides = array<i32>} : memref<128x128xf32, #tpu.memory_space<vmem>>, vector<16xf32>,
        %mul3A_218 = arith.mulf %get3A_214, %get3A_217 : vector<16xf32>
        %get3A_219 = arith.index_cast %add3A_197 : i32 to index
        %get3A_220 = arith.constant 48 : index
        %get3A_221 = tpu.vector_load %arg5[%get3A_219, %get3A_220] {strides = array<i32>} : memref<128x128xf32, #tpu.memory_space<vmem>>, vector<16xf32>,
        %get3A_222 = arith.index_cast %add3A_197 : i32 to index
        %get3A_223 = arith.constant 48 : index
        %get3A_224 = tpu.vector_load %arg6[%get3A_222, %get3A_223] {strides = array<i32>} : memref<128x128xf32, #tpu.memory_space<vmem>>, vector<16xf32>,
        %mul3A_225 = arith.mulf %get3A_221, %get3A_224 : vector<16xf32>
        %get3A_226 = arith.index_cast %add3A_197 : i32 to index
        %get3A_227 = arith.constant 64 : index
        %get3A_228 = tpu.vector_load %arg5[%get3A_226, %get3A_227] {strides = array<i32>} : memref<128x128xf32, #tpu.memory_space<vmem>>, vector<16xf32>,
        %get3A_229 = arith.index_cast %add3A_197 : i32 to index
        %get3A_230 = arith.constant 64 : index
        %get3A_231 = tpu.vector_load %arg6[%get3A_229, %get3A_230] {strides = array<i32>} : memref<128x128xf32, #tpu.memory_space<vmem>>, vector<16xf32>,
        %mul3A_232 = arith.mulf %get3A_228, %get3A_231 : vector<16xf32>
        %get3A_233 = arith.index_cast %add3A_197 : i32 to index
        %get3A_234 = arith.constant 80 : index
        %get3A_235 = tpu.vector_load %arg5[%get3A_233, %get3A_234] {strides = array<i32>} : memref<128x128xf32, #tpu.memory_space<vmem>>, vector<16xf32>,
        %get3A_236 = arith.index_cast %add3A_197 : i32 to index
        %get3A_237 = arith.constant 80 : index
        %get3A_238 = tpu.vector_load %arg6[%get3A_236, %get3A_237] {strides = array<i32>} : memref<128x128xf32, #tpu.memory_space<vmem>>, vector<16xf32>,
        %mul3A_239 = arith.mulf %get3A_235, %get3A_238 : vector<16xf32>
        %get3A_240 = arith.index_cast %add3A_197 : i32 to index
        %get3A_241 = arith.constant 96 : index
        %get3A_242 = tpu.vector_load %arg5[%get3A_240, %get3A_241] {strides = array<i32>} : memref<128x128xf32, #tpu.memory_space<vmem>>, vector<16xf32>,
        %get3A_243 = arith.index_cast %add3A_197 : i32 to index
        %get3A_244 = arith.constant 96 : index
        %get3A_245 = tpu.vector_load %arg6[%get3A_243, %get3A_244] {strides = array<i32>} : memref<128x128xf32, #tpu.memory_space<vmem>>, vector<16xf32>,
        %mul3A_246 = arith.mulf %get3A_242, %get3A_245 : vector<16xf32>
        %get3A_247 = arith.index_cast %add3A_197 : i32 to index
        %get3A_248 = arith.constant 112 : index
        %get3A_249 = tpu.vector_load %arg5[%get3A_247, %get3A_248] {strides = array<i32>} : memref<128x128xf32, #tpu.memory_space<vmem>>, vector<16xf32>,
        %get3A_250 = arith.index_cast %add3A_197 : i32 to index
        %get3A_251 = arith.constant 112 : index
        %get3A_252 = tpu.vector_load %arg6[%get3A_250, %get3A_251] {strides = array<i32>} : memref<128x128xf32, #tpu.memory_space<vmem>>, vector<16xf32>,
        %mul3A_253 = arith.mulf %get3A_249, %get3A_252 : vector<16xf32>
        %add3A_254 = arith.addf %mul3A_204, %mul3A_211 : vector<16xf32>
        %add3A_255 = arith.addf %mul3A_218, %mul3A_225 : vector<16xf32>
        %add3A_256 = arith.addf %mul3A_232, %mul3A_239 : vector<16xf32>
        %add3A_257 = arith.addf %mul3A_246, %mul3A_253 : vector<16xf32>
        %add3A_258 = arith.addf %add3A_254, %add3A_255 : vector<16xf32>
        %add3A_259 = arith.addf %add3A_256, %add3A_257 : vector<16xf32>
        %add3A_260 = arith.addf %add3A_258, %add3A_259 : vector<16xf32>
        %mul3A_261 = arith.constant 4 : i32
        %mul3A_262 = arith.muli %scan3A_113, %mul3A_261 : i32
        %add3A_263 = arith.constant 1 : i32
        %add3A_264 = arith.addi %mul3A_262, %add3A_263 : i32
        %mul3A_265 = arith.constant 16 : i32
        %mul3A_266 = arith.muli %add3A_264, %mul3A_265 : i32
        %swap3A_267 = arith.index_cast %mul3A_266 : i32 to index
        %swap3A_268 = tpu.vector_load %arg8[%swap3A_267] {strides = array<i32>} : memref<256xf32, #tpu.memory_space<vmem>>, vector<16xf32>,
        tpu.vector_store %arg8[%swap3A_267], %add3A_260 {strides = array<i32>} : memref<256xf32, #tpu.memory_space<vmem>>, vector<16xf32>,
        %mul3A_269 = arith.constant 16 : i32
        %mul3A_270 = arith.muli %scan3A_25, %mul3A_269 : i32
        %mul3A_271 = arith.constant 4 : i32
        %mul3A_272 = arith.muli %scan3A_113, %mul3A_271 : i32
        %add3A_273 = arith.addi %mul3A_270, %mul3A_272 : i32
        %add3A_274 = arith.constant 2 : i32
        %add3A_275 = arith.addi %add3A_273, %add3A_274 : i32
        %get3A_276 = arith.index_cast %add3A_275 : i32 to index
        %get3A_277 = arith.constant 0 : index
        %get3A_278 = tpu.vector_load %arg5[%get3A_276, %get3A_277] {strides = array<i32>} : memref<128x128xf32, #tpu.memory_space<vmem>>, vector<16xf32>,
        %get3A_279 = arith.index_cast %add3A_275 : i32 to index
        %get3A_280 = arith.constant 0 : index
        %get3A_281 = tpu.vector_load %arg6[%get3A_279, %get3A_280] {strides = array<i32>} : memref<128x128xf32, #tpu.memory_space<vmem>>, vector<16xf32>,
        %mul3A_282 = arith.mulf %get3A_278, %get3A_281 : vector<16xf32>
        %get3A_283 = arith.index_cast %add3A_275 : i32 to index
        %get3A_284 = arith.constant 16 : index
        %get3A_285 = tpu.vector_load %arg5[%get3A_283, %get3A_284] {strides = array<i32>} : memref<128x128xf32, #tpu.memory_space<vmem>>, vector<16xf32>,
        %get3A_286 = arith.index_cast %add3A_275 : i32 to index
        %get3A_287 = arith.constant 16 : index
        %get3A_288 = tpu.vector_load %arg6[%get3A_286, %get3A_287] {strides = array<i32>} : memref<128x128xf32, #tpu.memory_space<vmem>>, vector<16xf32>,
        %mul3A_289 = arith.mulf %get3A_285, %get3A_288 : vector<16xf32>
        %get3A_290 = arith.index_cast %add3A_275 : i32 to index
        %get3A_291 = arith.constant 32 : index
        %get3A_292 = tpu.vector_load %arg5[%get3A_290, %get3A_291] {strides = array<i32>} : memref<128x128xf32, #tpu.memory_space<vmem>>, vector<16xf32>,
        %get3A_293 = arith.index_cast %add3A_275 : i32 to index
        %get3A_294 = arith.constant 32 : index
        %get3A_295 = tpu.vector_load %arg6[%get3A_293, %get3A_294] {strides = array<i32>} : memref<128x128xf32, #tpu.memory_space<vmem>>, vector<16xf32>,
        %mul3A_296 = arith.mulf %get3A_292, %get3A_295 : vector<16xf32>
        %get3A_297 = arith.index_cast %add3A_275 : i32 to index
        %get3A_298 = arith.constant 48 : index
        %get3A_299 = tpu.vector_load %arg5[%get3A_297, %get3A_298] {strides = array<i32>} : memref<128x128xf32, #tpu.memory_space<vmem>>, vector<16xf32>,
        %get3A_300 = arith.index_cast %add3A_275 : i32 to index
        %get3A_301 = arith.constant 48 : index
        %get3A_302 = tpu.vector_load %arg6[%get3A_300, %get3A_301] {strides = array<i32>} : memref<128x128xf32, #tpu.memory_space<vmem>>, vector<16xf32>,
        %mul3A_303 = arith.mulf %get3A_299, %get3A_302 : vector<16xf32>
        %get3A_304 = arith.index_cast %add3A_275 : i32 to index
        %get3A_305 = arith.constant 64 : index
        %get3A_306 = tpu.vector_load %arg5[%get3A_304, %get3A_305] {strides = array<i32>} : memref<128x128xf32, #tpu.memory_space<vmem>>, vector<16xf32>,
        %get3A_307 = arith.index_cast %add3A_275 : i32 to index
        %get3A_308 = arith.constant 64 : index
        %get3A_309 = tpu.vector_load %arg6[%get3A_307, %get3A_308] {strides = array<i32>} : memref<128x128xf32, #tpu.memory_space<vmem>>, vector<16xf32>,
        %mul3A_310 = arith.mulf %get3A_306, %get3A_309 : vector<16xf32>
        %get3A_311 = arith.index_cast %add3A_275 : i32 to index
        %get3A_312 = arith.constant 80 : index
        %get3A_313 = tpu.vector_load %arg5[%get3A_311, %get3A_312] {strides = array<i32>} : memref<128x128xf32, #tpu.memory_space<vmem>>, vector<16xf32>,
        %get3A_314 = arith.index_cast %add3A_275 : i32 to index
        %get3A_315 = arith.constant 80 : index
        %get3A_316 = tpu.vector_load %arg6[%get3A_314, %get3A_315] {strides = array<i32>} : memref<128x128xf32, #tpu.memory_space<vmem>>, vector<16xf32>,
        %mul3A_317 = arith.mulf %get3A_313, %get3A_316 : vector<16xf32>
        %get3A_318 = arith.index_cast %add3A_275 : i32 to index
        %get3A_319 = arith.constant 96 : index
        %get3A_320 = tpu.vector_load %arg5[%get3A_318, %get3A_319] {strides = array<i32>} : memref<128x128xf32, #tpu.memory_space<vmem>>, vector<16xf32>,
        %get3A_321 = arith.index_cast %add3A_275 : i32 to index
        %get3A_322 = arith.constant 96 : index
        %get3A_323 = tpu.vector_load %arg6[%get3A_321, %get3A_322] {strides = array<i32>} : memref<128x128xf32, #tpu.memory_space<vmem>>, vector<16xf32>,
        %mul3A_324 = arith.mulf %get3A_320, %get3A_323 : vector<16xf32>
        %get3A_325 = arith.index_cast %add3A_275 : i32 to index
        %get3A_326 = arith.constant 112 : index
        %get3A_327 = tpu.vector_load %arg5[%get3A_325, %get3A_326] {strides = array<i32>} : memref<128x128xf32, #tpu.memory_space<vmem>>, vector<16xf32>,
        %get3A_328 = arith.index_cast %add3A_275 : i32 to index
        %get3A_329 = arith.constant 112 : index
        %get3A_330 = tpu.vector_load %arg6[%get3A_328, %get3A_329] {strides = array<i32>} : memref<128x128xf32, #tpu.memory_space<vmem>>, vector<16xf32>,
        %mul3A_331 = arith.mulf %get3A_327, %get3A_330 : vector<16xf32>
        %add3A_332 = arith.addf %mul3A_282, %mul3A_289 : vector<16xf32>
        %add3A_333 = arith.addf %mul3A_296, %mul3A_303 : vector<16xf32>
        %add3A_334 = arith.addf %mul3A_310, %mul3A_317 : vector<16xf32>
        %add3A_335 = arith.addf %mul3A_324, %mul3A_331 : vector<16xf32>
        %add3A_336 = arith.addf %add3A_332, %add3A_333 : vector<16xf32>
        %add3A_337 = arith.addf %add3A_334, %add3A_335 : vector<16xf32>
        %add3A_338 = arith.addf %add3A_336, %add3A_337 : vector<16xf32>
        %mul3A_339 = arith.constant 4 : i32
        %mul3A_340 = arith.muli %scan3A_113, %mul3A_339 : i32
        %add3A_341 = arith.constant 2 : i32
        %add3A_342 = arith.addi %mul3A_340, %add3A_341 : i32
        %mul3A_343 = arith.constant 16 : i32
        %mul3A_344 = arith.muli %add3A_342, %mul3A_343 : i32
        %swap3A_345 = arith.index_cast %mul3A_344 : i32 to index
        %swap3A_346 = tpu.vector_load %arg8[%swap3A_345] {strides = array<i32>} : memref<256xf32, #tpu.memory_space<vmem>>, vector<16xf32>,
        tpu.vector_store %arg8[%swap3A_345], %add3A_338 {strides = array<i32>} : memref<256xf32, #tpu.memory_space<vmem>>, vector<16xf32>,
        %mul3A_347 = arith.constant 16 : i32
        %mul3A_348 = arith.muli %scan3A_25, %mul3A_347 : i32
        %mul3A_349 = arith.constant 4 : i32
        %mul3A_350 = arith.muli %scan3A_113, %mul3A_349 : i32
        %add3A_351 = arith.addi %mul3A_348, %mul3A_350 : i32
        %add3A_352 = arith.constant 3 : i32
        %add3A_353 = arith.addi %add3A_351, %add3A_352 : i32
        %get3A_354 = arith.index_cast %add3A_353 : i32 to index
        %get3A_355 = arith.constant 0 : index
        %get3A_356 = tpu.vector_load %arg5[%get3A_354, %get3A_355] {strides = array<i32>} : memref<128x128xf32, #tpu.memory_space<vmem>>, vector<16xf32>,
        %get3A_357 = arith.index_cast %add3A_353 : i32 to index
        %get3A_358 = arith.constant 0 : index
        %get3A_359 = tpu.vector_load %arg6[%get3A_357, %get3A_358] {strides = array<i32>} : memref<128x128xf32, #tpu.memory_space<vmem>>, vector<16xf32>,
        %mul3A_360 = arith.mulf %get3A_356, %get3A_359 : vector<16xf32>
        %get3A_361 = arith.index_cast %add3A_353 : i32 to index
        %get3A_362 = arith.constant 16 : index
        %get3A_363 = tpu.vector_load %arg5[%get3A_361, %get3A_362] {strides = array<i32>} : memref<128x128xf32, #tpu.memory_space<vmem>>, vector<16xf32>,
        %get3A_364 = arith.index_cast %add3A_353 : i32 to index
        %get3A_365 = arith.constant 16 : index
        %get3A_366 = tpu.vector_load %arg6[%get3A_364, %get3A_365] {strides = array<i32>} : memref<128x128xf32, #tpu.memory_space<vmem>>, vector<16xf32>,
        %mul3A_367 = arith.mulf %get3A_363, %get3A_366 : vector<16xf32>
        %get3A_368 = arith.index_cast %add3A_353 : i32 to index
        %get3A_369 = arith.constant 32 : index
        %get3A_370 = tpu.vector_load %arg5[%get3A_368, %get3A_369] {strides = array<i32>} : memref<128x128xf32, #tpu.memory_space<vmem>>, vector<16xf32>,
        %get3A_371 = arith.index_cast %add3A_353 : i32 to index
        %get3A_372 = arith.constant 32 : index
        %get3A_373 = tpu.vector_load %arg6[%get3A_371, %get3A_372] {strides = array<i32>} : memref<128x128xf32, #tpu.memory_space<vmem>>, vector<16xf32>,
        %mul3A_374 = arith.mulf %get3A_370, %get3A_373 : vector<16xf32>
        %get3A_375 = arith.index_cast %add3A_353 : i32 to index
        %get3A_376 = arith.constant 48 : index
        %get3A_377 = tpu.vector_load %arg5[%get3A_375, %get3A_376] {strides = array<i32>} : memref<128x128xf32, #tpu.memory_space<vmem>>, vector<16xf32>,
        %get3A_378 = arith.index_cast %add3A_353 : i32 to index
        %get3A_379 = arith.constant 48 : index
        %get3A_380 = tpu.vector_load %arg6[%get3A_378, %get3A_379] {strides = array<i32>} : memref<128x128xf32, #tpu.memory_space<vmem>>, vector<16xf32>,
        %mul3A_381 = arith.mulf %get3A_377, %get3A_380 : vector<16xf32>
        %get3A_382 = arith.index_cast %add3A_353 : i32 to index
        %get3A_383 = arith.constant 64 : index
        %get3A_384 = tpu.vector_load %arg5[%get3A_382, %get3A_383] {strides = array<i32>} : memref<128x128xf32, #tpu.memory_space<vmem>>, vector<16xf32>,
        %get3A_385 = arith.index_cast %add3A_353 : i32 to index
        %get3A_386 = arith.constant 64 : index
        %get3A_387 = tpu.vector_load %arg6[%get3A_385, %get3A_386] {strides = array<i32>} : memref<128x128xf32, #tpu.memory_space<vmem>>, vector<16xf32>,
        %mul3A_388 = arith.mulf %get3A_384, %get3A_387 : vector<16xf32>
        %get3A_389 = arith.index_cast %add3A_353 : i32 to index
        %get3A_390 = arith.constant 80 : index
        %get3A_391 = tpu.vector_load %arg5[%get3A_389, %get3A_390] {strides = array<i32>} : memref<128x128xf32, #tpu.memory_space<vmem>>, vector<16xf32>,
        %get3A_392 = arith.index_cast %add3A_353 : i32 to index
        %get3A_393 = arith.constant 80 : index
        %get3A_394 = tpu.vector_load %arg6[%get3A_392, %get3A_393] {strides = array<i32>} : memref<128x128xf32, #tpu.memory_space<vmem>>, vector<16xf32>,
        %mul3A_395 = arith.mulf %get3A_391, %get3A_394 : vector<16xf32>
        %get3A_396 = arith.index_cast %add3A_353 : i32 to index
        %get3A_397 = arith.constant 96 : index
        %get3A_398 = tpu.vector_load %arg5[%get3A_396, %get3A_397] {strides = array<i32>} : memref<128x128xf32, #tpu.memory_space<vmem>>, vector<16xf32>,
        %get3A_399 = arith.index_cast %add3A_353 : i32 to index
        %get3A_400 = arith.constant 96 : index
        %get3A_401 = tpu.vector_load %arg6[%get3A_399, %get3A_400] {strides = array<i32>} : memref<128x128xf32, #tpu.memory_space<vmem>>, vector<16xf32>,
        %mul3A_402 = arith.mulf %get3A_398, %get3A_401 : vector<16xf32>
        %get3A_403 = arith.index_cast %add3A_353 : i32 to index
        %get3A_404 = arith.constant 112 : index
        %get3A_405 = tpu.vector_load %arg5[%get3A_403, %get3A_404] {strides = array<i32>} : memref<128x128xf32, #tpu.memory_space<vmem>>, vector<16xf32>,
        %get3A_406 = arith.index_cast %add3A_353 : i32 to index
        %get3A_407 = arith.constant 112 : index
        %get3A_408 = tpu.vector_load %arg6[%get3A_406, %get3A_407] {strides = array<i32>} : memref<128x128xf32, #tpu.memory_space<vmem>>, vector<16xf32>,
        %mul3A_409 = arith.mulf %get3A_405, %get3A_408 : vector<16xf32>
        %add3A_410 = arith.addf %mul3A_360, %mul3A_367 : vector<16xf32>
        %add3A_411 = arith.addf %mul3A_374, %mul3A_381 : vector<16xf32>
        %add3A_412 = arith.addf %mul3A_388, %mul3A_395 : vector<16xf32>
        %add3A_413 = arith.addf %mul3A_402, %mul3A_409 : vector<16xf32>
        %add3A_414 = arith.addf %add3A_410, %add3A_411 : vector<16xf32>
        %add3A_415 = arith.addf %add3A_412, %add3A_413 : vector<16xf32>
        %add3A_416 = arith.addf %add3A_414, %add3A_415 : vector<16xf32>
        %mul3A_417 = arith.constant 4 : i32
        %mul3A_418 = arith.muli %scan3A_113, %mul3A_417 : i32
        %add3A_419 = arith.constant 3 : i32
        %add3A_420 = arith.addi %mul3A_418, %add3A_419 : i32
        %mul3A_421 = arith.constant 16 : i32
        %mul3A_422 = arith.muli %add3A_420, %mul3A_421 : i32
        %swap3A_423 = arith.index_cast %mul3A_422 : i32 to index
        %swap3A_424 = tpu.vector_load %arg8[%swap3A_423] {strides = array<i32>} : memref<256xf32, #tpu.memory_space<vmem>>, vector<16xf32>,
        tpu.vector_store %arg8[%swap3A_423], %add3A_416 {strides = array<i32>} : memref<256xf32, #tpu.memory_space<vmem>>, vector<16xf32>,
      }
      %scan3A_31 = arith.constant 4 : i32
      %add3A_32 = arith.constant 0 : i32
      %add3A_33 = vector.broadcast %add3A_32 : i32 to vector<16xi32>
      %add3A_34 = arith.addi %mul3A_5, %add3A_33 : vector<16xi32>
      %gather3A = tpu.vector_load_idx %arg8[%add3A_34] : memref<256xf32, #tpu.memory_space<vmem>>[vector<16xi32>], vector<16xf32>,
      %add3A_35 = arith.constant 1 : i32
      %add3A_36 = vector.broadcast %add3A_35 : i32 to vector<16xi32>
      %add3A_37 = arith.addi %mul3A_5, %add3A_36 : vector<16xi32>
      %gather3A_38 = tpu.vector_load_idx %arg8[%add3A_37] : memref<256xf32, #tpu.memory_space<vmem>>[vector<16xi32>], vector<16xf32>,
      %add3A_39 = arith.constant 2 : i32
      %add3A_40 = vector.broadcast %add3A_39 : i32 to vector<16xi32>
      %add3A_41 = arith.addi %mul3A_5, %add3A_40 : vector<16xi32>
      %gather3A_42 = tpu.vector_load_idx %arg8[%add3A_41] : memref<256xf32, #tpu.memory_space<vmem>>[vector<16xi32>], vector<16xf32>,
      %add3A_43 = arith.constant 3 : i32
      %add3A_44 = vector.broadcast %add3A_43 : i32 to vector<16xi32>
      %add3A_45 = arith.addi %mul3A_5, %add3A_44 : vector<16xi32>
      %gather3A_46 = tpu.vector_load_idx %arg8[%add3A_45] : memref<256xf32, #tpu.memory_space<vmem>>[vector<16xi32>], vector<16xf32>,
      %add3A_47 = arith.constant 4 : i32
      %add3A_48 = vector.broadcast %add3A_47 : i32 to vector<16xi32>
      %add3A_49 = arith.addi %mul3A_5, %add3A_48 : vector<16xi32>
      %gather3A_50 = tpu.vector_load_idx %arg8[%add3A_49] : memref<256xf32, #tpu.memory_space<vmem>>[vector<16xi32>], vector<16xf32>,
      %add3A_51 = arith.constant 5 : i32
      %add3A_52 = vector.broadcast %add3A_51 : i32 to vector<16xi32>
      %add3A_53 = arith.addi %mul3A_5, %add3A_52 : vector<16xi32>
      %gather3A_54 = tpu.vector_load_idx %arg8[%add3A_53] : memref<256xf32, #tpu.memory_space<vmem>>[vector<16xi32>], vector<16xf32>,
      %add3A_55 = arith.constant 6 : i32
      %add3A_56 = vector.broadcast %add3A_55 : i32 to vector<16xi32>
      %add3A_57 = arith.addi %mul3A_5, %add3A_56 : vector<16xi32>
      %gather3A_58 = tpu.vector_load_idx %arg8[%add3A_57] : memref<256xf32, #tpu.memory_space<vmem>>[vector<16xi32>], vector<16xf32>,
      %add3A_59 = arith.constant 7 : i32
      %add3A_60 = vector.broadcast %add3A_59 : i32 to vector<16xi32>
      %add3A_61 = arith.addi %mul3A_5, %add3A_60 : vector<16xi32>
      %gather3A_62 = tpu.vector_load_idx %arg8[%add3A_61] : memref<256xf32, #tpu.memory_space<vmem>>[vector<16xi32>], vector<16xf32>,
      %add3A_63 = arith.constant 8 : i32
      %add3A_64 = vector.broadcast %add3A_63 : i32 to vector<16xi32>
      %add3A_65 = arith.addi %mul3A_5, %add3A_64 : vector<16xi32>
      %gather3A_66 = tpu.vector_load_idx %arg8[%add3A_65] : memref<256xf32, #tpu.memory_space<vmem>>[vector<16xi32>], vector<16xf32>,
      %add3A_67 = arith.constant 9 : i32
      %add3A_68 = vector.broadcast %add3A_67 : i32 to vector<16xi32>
      %add3A_69 = arith.addi %mul3A_5, %add3A_68 : vector<16xi32>
      %gather3A_70 = tpu.vector_load_idx %arg8[%add3A_69] : memref<256xf32, #tpu.memory_space<vmem>>[vector<16xi32>], vector<16xf32>,
      %add3A_71 = arith.constant 10 : i32
      %add3A_72 = vector.broadcast %add3A_71 : i32 to vector<16xi32>
      %add3A_73 = arith.addi %mul3A_5, %add3A_72 : vector<16xi32>
      %gather3A_74 = tpu.vector_load_idx %arg8[%add3A_73] : memref<256xf32, #tpu.memory_space<vmem>>[vector<16xi32>], vector<16xf32>,
      %add3A_75 = arith.constant 11 : i32
      %add3A_76 = vector.broadcast %add3A_75 : i32 to vector<16xi32>
      %add3A_77 = arith.addi %mul3A_5, %add3A_76 : vector<16xi32>
      %gather3A_78 = tpu.vector_load_idx %arg8[%add3A_77] : memref<256xf32, #tpu.memory_space<vmem>>[vector<16xi32>], vector<16xf32>,
      %add3A_79 = arith.constant 12 : i32
      %add3A_80 = vector.broadcast %add3A_79 : i32 to vector<16xi32>
      %add3A_81 = arith.addi %mul3A_5, %add3A_80 : vector<16xi32>
      %gather3A_82 = tpu.vector_load_idx %arg8[%add3A_81] : memref<256xf32, #tpu.memory_space<vmem>>[vector<16xi32>], vector<16xf32>,
      %add3A_83 = arith.constant 13 : i32
      %add3A_84 = vector.broadcast %add3A_83 : i32 to vector<16xi32>
      %add3A_85 = arith.addi %mul3A_5, %add3A_84 : vector<16xi32>
      %gather3A_86 = tpu.vector_load_idx %arg8[%add3A_85] : memref<256xf32, #tpu.memory_space<vmem>>[vector<16xi32>], vector<16xf32>,
      %add3A_87 = arith.constant 14 : i32
      %add3A_88 = vector.broadcast %add3A_87 : i32 to vector<16xi32>
      %add3A_89 = arith.addi %mul3A_5, %add3A_88 : vector<16xi32>
      %gather3A_90 = tpu.vector_load_idx %arg8[%add3A_89] : memref<256xf32, #tpu.memory_space<vmem>>[vector<16xi32>], vector<16xf32>,
      %add3A_91 = arith.constant 15 : i32
      %add3A_92 = vector.broadcast %add3A_91 : i32 to vector<16xi32>
      %add3A_93 = arith.addi %mul3A_5, %add3A_92 : vector<16xi32>
      %gather3A_94 = tpu.vector_load_idx %arg8[%add3A_93] : memref<256xf32, #tpu.memory_space<vmem>>[vector<16xi32>], vector<16xf32>,
      %add3A_95 = arith.addf %gather3A, %gather3A_38 : vector<16xf32>
      %add3A_96 = arith.addf %gather3A_42, %gather3A_46 : vector<16xf32>
      %add3A_97 = arith.addf %gather3A_50, %gather3A_54 : vector<16xf32>
      %add3A_98 = arith.addf %gather3A_58, %gather3A_62 : vector<16xf32>
      %add3A_99 = arith.addf %gather3A_66, %gather3A_70 : vector<16xf32>
      %add3A_100 = arith.addf %gather3A_74, %gather3A_78 : vector<16xf32>
      %add3A_101 = arith.addf %gather3A_82, %gather3A_86 : vector<16xf32>
      %add3A_102 = arith.addf %gather3A_90, %gather3A_94 : vector<16xf32>
      %add3A_103 = arith.addf %add3A_95, %add3A_96 : vector<16xf32>
      %add3A_104 = arith.addf %add3A_97, %add3A_98 : vector<16xf32>
      %add3A_105 = arith.addf %add3A_99, %add3A_100 : vector<16xf32>
      %add3A_106 = arith.addf %add3A_101, %add3A_102 : vector<16xf32>
      %add3A_107 = arith.addf %add3A_103, %add3A_104 : vector<16xf32>
      %add3A_108 = arith.addf %add3A_105, %add3A_106 : vector<16xf32>
      %add3A_109 = arith.addf %add3A_107, %add3A_108 : vector<16xf32>
      %mul3A_110 = arith.constant 16 : i32
      %mul3A_111 = arith.muli %scan3A_25, %mul3A_110 : i32
      %swap3A = arith.index_cast %mul3A_111 : i32 to index
      %swap3A_112 = tpu.vector_load %arg7[%swap3A] {strides = array<i32>} : memref<128xf32, #tpu.memory_space<vmem>>, vector<16xf32>,
      tpu.vector_store %arg7[%swap3A], %add3A_109 {strides = array<i32>} : memref<128xf32, #tpu.memory_space<vmem>>, vector<16xf32>,
    }
    %scan3A_24 = arith.constant 8 : i32
    "tpu.region"() ({
      %run_scoped3A = tpu.sem_alloc : memref<!tpu.dma_semaphore, #tpu.memory_space<semaphore_mem>>
      %dma_start3A_25 = tpu.memref_slice %arg4[%mul3A_2] : memref<2048xf32, #tpu.memory_space<hbm>> -> memref<128xf32, #tpu.memory_space<hbm>>
      %dma_start3A_26 = tpu.memref_slice %arg4[%mul3A_2] : memref<2048xf32, #tpu.memory_space<hbm>> -> memref<128xf32, #tpu.memory_space<hbm>>
      tpu.enqueue_dma source(%arg7 : memref<128xf32, #tpu.memory_space<vmem>>) target(%dma_start3A_26 : memref<128xf32, #tpu.memory_space<hbm>>) target_semaphore(%run_scoped3A : memref<!tpu.dma_semaphore, #tpu.memory_space<semaphore_mem>>)
      %dma_wait3A_27 = tpu.memref_slice %arg4[%mul3A_2] : memref<2048xf32, #tpu.memory_space<hbm>> -> memref<128xf32, #tpu.memory_space<hbm>>
      %dma_wait3A_28 = tpu.memref_slice %arg4[%mul3A_2] : memref<2048xf32, #tpu.memory_space<hbm>> -> memref<128xf32, #tpu.memory_space<hbm>>
      tpu.wait_dma2 semaphore(%run_scoped3A : memref<!tpu.dma_semaphore, #tpu.memory_space<semaphore_mem>>) src(%arg7 : memref<128xf32, #tpu.memory_space<vmem>>) dst(%dma_wait3A_28 : memref<128xf32, #tpu.memory_space<hbm>>)
      tpu.yield
    }) : () -> ()
    return
  }
}

module attributes {stable_mosaic.version = 14 : i64} {
  func.func @_tc_body(%arg0: i32, %arg1: memref<4096x128xf32, #tpu.memory_space<vmem>>, %arg2: memref<4096x128xf32, #tpu.memory_space<vmem>>, %arg3: memref<4096x128xf32, #tpu.memory_space<vmem>>, %arg4: memref<4096x128xf32, #tpu.memory_space<vmem>>, %arg5: memref<4096xf32, #tpu.memory_space<vmem>>) attributes {dimension_semantics = [#tpu.dimension_semantics<arbitrary>], iteration_bounds = array<i64: 4>, scalar_prefetch = 0 : i64, scratch_operands = 0 : i64, tpu.core_type = #tpu.core_type<tc>, window_params = [{transform_indices = @transform_0, window_bounds = array<i64: 4096, 128>}, {transform_indices = @transform_1, window_bounds = array<i64: 4096, 128>}, {transform_indices = @transform_2, window_bounds = array<i64: 4096, 128>}, {transform_indices = @transform_3, window_bounds = array<i64: 4096, 128>}, {transform_indices = @transform_4, window_bounds = array<i64: 4096>}]} {
    %get3A = arith.constant 0 : index
    %get3A_0 = arith.constant 0 : index
    %get3A_1 = vector.load %arg1[%get3A, %get3A_0] : memref<4096x128xf32, #tpu.memory_space<vmem>>, vector<4096x128xf32>
    %get3A_2 = arith.constant 0 : index
    %get3A_3 = arith.constant 0 : index
    %get3A_4 = vector.load %arg2[%get3A_2, %get3A_3] : memref<4096x128xf32, #tpu.memory_space<vmem>>, vector<4096x128xf32>
    %swap3A = arith.constant 0 : index
    %swap3A_5 = arith.constant 0 : index
    %swap3A_6 = vector.load %arg3[%swap3A, %swap3A_5] : memref<4096x128xf32, #tpu.memory_space<vmem>>, vector<4096x128xf32>
    tpu.vector_store %arg3[%swap3A, %swap3A_5], %get3A_1 {strides = array<i32>} : memref<4096x128xf32, #tpu.memory_space<vmem>>, vector<4096x128xf32>,
    %swap3A_7 = arith.constant 0 : index
    %swap3A_8 = arith.constant 0 : index
    %swap3A_9 = vector.load %arg4[%swap3A_7, %swap3A_8] : memref<4096x128xf32, #tpu.memory_space<vmem>>, vector<4096x128xf32>
    tpu.vector_store %arg4[%swap3A_7, %swap3A_8], %get3A_4 {strides = array<i32>} : memref<4096x128xf32, #tpu.memory_space<vmem>>, vector<4096x128xf32>,
    %mul3A = arith.mulf %get3A_1, %get3A_4 : vector<4096x128xf32>
    %reduce_sum3A = arith.constant dense<0.000000e+00> : vector<4096xf32>
    %reduce_sum3A_10 = vector.multi_reduction <add>, %mul3A, %reduce_sum3A [1] : vector<4096x128xf32> to vector<4096xf32>
    %swap3A_11 = arith.constant 0 : index
    %swap3A_12 = vector.load %arg5[%swap3A_11] : memref<4096xf32, #tpu.memory_space<vmem>>, vector<4096xf32>
    tpu.vector_store %arg5[%swap3A_11], %reduce_sum3A_10 {strides = array<i32>} : memref<4096xf32, #tpu.memory_space<vmem>>, vector<4096xf32>,
    return
  }
  func.func @transform_0(%arg0: i32) -> (i32, i32) {
    %c0_i32 = arith.constant 0 : i32
    %c0_i32_0 = arith.constant 0 : i32
    return %arg0, %c0_i32 : i32, i32
  }
  func.func @transform_1(%arg0: i32) -> (i32, i32) {
    %c0_i32 = arith.constant 0 : i32
    %c0_i32_0 = arith.constant 0 : i32
    return %arg0, %c0_i32 : i32, i32
  }
  func.func @transform_2(%arg0: i32) -> (i32, i32) {
    %c0_i32 = arith.constant 0 : i32
    %c0_i32_0 = arith.constant 0 : i32
    return %arg0, %c0_i32 : i32, i32
  }
  func.func @transform_3(%arg0: i32) -> (i32, i32) {
    %c0_i32 = arith.constant 0 : i32
    %c0_i32_0 = arith.constant 0 : i32
    return %arg0, %c0_i32 : i32, i32
  }
  func.func @transform_4(%arg0: i32) -> i32 {
    %c0_i32 = arith.constant 0 : i32
    return %arg0 : i32
  }
}

</mosaic_0001>

<sc_bundles>
// kernel: kernel.4.cloned.1.call-start
scs
__scs_entry_jumppad:
0x0: {  	(pc) =	sbr.rel $0x88, $3  }
0x1: {  	(tag) =	ssettag $0x0;
	lr =	simm.s32 $0x1  }
0x2: {  	[smem:$0x3F9F] =	sst lr;
	_ =	strace $0xD0000000  }
0x3: {  	_ = 	snop  }
0x4: {  	_ = 	snop  }
0x5: {  	_ = 	snop  }
0x6: {  	_ = 	snop  }
0x7: {  	_ = 	snop  }
__scs_overlays_trampoline_lowered:
0x8: {  	[smem:$0x3FAE] =	sst s0  }
0x9: {  	[smem:$0x3FAF] =	sst s1  }
0xa: {  	[smem:$0x3FB0] =	sst s2  }
0xb: {  	[smem:$0x3FB1] =	sst s3  }
0xc: {  	[smem:$0x3FB2] =	sst s4  }
0xd: {  	[smem:$0x3FB3] =	sst s5  }
0xe: {  	[smem:$0x3FB4] =	sst s6  }
0xf: {  	[smem:$0x3FB5] =	sst s7  }
0x10: {  	[smem:$0x3FB6] =	sst s8  }
0x11: {  	[smem:$0x3FB7] =	sst s9;
	s0 =	simm.s32 @!p0 $0x0  }
0x12: {  	s1 =	sld [smem:$0x3F9D];
	s0 =	simm.s32 @p0 $0x1  }
0x13: {  	[smem:$0x3FB8] =	sst s0;
	s0 =	simm.s32 @!p1 $0x0  }
0x14: {  	s2 =	sld [smem:$0x3F9C];
	s0 =	simm.s32 @p1 $0x1  }
0x15: {  	[smem:$0x3FB9] =	sst s0;
	s0 =	simm.s32 @!p2 $0x0  }
0x16: {  	s3 =	sld [smem:$0x3FDB];
	s0 =	simm.s32 @p2 $0x1  }
0x17: {  	s4 =	simm.s32 $0x1BF5;
	[smem:$0x3FBB] =	sst s0  }
0x18: {  	s0 =	sld [smem:$0x3F9E];
	_ =	swait.ge [sflag:s4], $0x0  }
0x19: {  	s7 =	sld [smem:$0x3F9F]  }
0x1a: {  	s8 =	sadd.s32 $0xFFFFE003, lr  }
0x1b: {  	s9 =	sadd.s32 $0xFFFFFEF7, lr;
	s5 =	simm.s32 $0xFFFFFFFF;
	p2 =	slt.u32 s8, $0xFFFFF086  }
0x1c: {  	p1 =	slt.u32 s9, $0xF7A;
	s5 =	simm.s32 @!p2 $0x0  }
0x1d: {  	s5 =	simm.s32 @p1 $0x1;
	p0 =	seq.s32 s7, s2  }
0x1e: {  	s7 =	smul.u32 @!p0 $0xF7A, s2;
	p2 =	seq.s32 @!p0 s5, $0x0  }
0x1f: {  	s9 =	smul.u32 $0xF7A, s1;
	s8 =	simm.s32 @!p0 $0x1BF5;
	p2 =	por !p2, p0  }
0x20: {  	[sflag:s8] =	ssyncset.s32 @!p0 $0xFFFFF086;
	s6 =	sadd.s32 @!p0 s3, s7;
	s7 =	simm.s32 @!p0 $0x108  }
0x21: {  	s3 =	sadd.s32 s3, s9;
	s6 =	sadd.s32 @!p0 $0x88, s6;
	s7 =	simm.s32 @p2 $0x1082  }
0x22: {  	[simem:s7], [sflag:s8] =	dma.local @!p0 [hbm:s6], $0xF7A  }
0x23: {  	s9 =	sor.u32 $0xD0000000, s2;
	s6 =	simm.s32 $0x108;
	_ =	swait.ge @!p0 [sflag:s8], $0x0  }
0x24: {  	s3 =	sadd.s32 $0x88, s3;
	s6 =	simm.s32 @!p1 $0x1082;
	[sflag:s4] =	ssyncset.s32 $0xFFFFF086  }
0x25: {  	[simem:s6], [sflag:s4] =	dma.local [hbm:s3], $0xF7A  }
0x26: {  	[smem:$0x3F9F] =	sst s1;
	(tag) =	ssettag s2;
	_ =	strace s9  }
0x27: {  	s1 =	sld [smem:$0x3FAF]  }
0x28: {  	s2 =	sld [smem:$0x3FB0]  }
0x29: {  	s4 =	sld [smem:$0x3FB2]  }
0x2a: {  	p0 =	seq.s32 s5, $0x0;
	s5 =	sld [smem:$0x3FB3]  }
0x2b: {  	s6 =	sld [smem:$0x3FB4]  }
0x2c: {  	s7 =	sld [smem:$0x3FB5]  }
0x2d: {  	s3 =	simm.s32 $0x108;
	s8 =	sld [smem:$0x3FB6]  }
0x2e: {  	s3 =	simm.s32 @!p0 $0x1082;
	s9 =	sld [smem:$0x3FB7]  }
0x2f: {  	lr =	sadd.s32 s0, s3;
	s0 =	sld [smem:$0x3FAE]  }
0x30: {  	s3 =	sld [smem:$0x3FB1]  }
0x31: {  	[smem:$0x3FBA] =	sst s10  }
0x32: {  	s10 =	sld [smem:$0x3FB8];
	_ =	sdelay $0x3  }
0x33: {  	p0 =	seq.s32 s10, $0x1;
	s10 =	sld [smem:$0x3FBA];
	_ =	sdelay $0x3  }
0x34: {  	[smem:$0x3FBA] =	sst s10  }
0x35: {  	s10 =	sld [smem:$0x3FB9];
	_ =	sdelay $0x3  }
0x36: {  	p1 =	seq.s32 s10, $0x1;
	s10 =	sld [smem:$0x3FBA];
	_ =	sdelay $0x3  }
0x37: {  	[smem:$0x3FBA] =	sst s10  }
0x38: {  	s10 =	sld [smem:$0x3FBB]  }
0x39: {  	_ = 	snop;
	(pc) =	sbr.ind lr, $3  }
0x3a: {  	_ = 	snop  }
0x3b: {  	_ = 	snop  }
0x3c: {  	p2 =	seq.s32 s10, $0x1;
	s10 =	sld [smem:$0x3FBA]  }
0x3d: {  	_ =	shalt  }
0x3e: {  	_ =	shalt  }
0x3f: {  	_ =	shalt  }
0x40: {  	_ =	shalt  }
0x41: {  	_ =	shalt  }
0x42: {  	_ =	shalt  }
0x43: {  	_ =	shalt  }
0x44: {  	_ =	shalt  }
0x45: {  	_ =	shalt  }
0x46: {  	_ =	shalt  }
0x47: {  	_ =	shalt  }
0x48: {  	_ =	shalt  }
0x49: {  	_ =	shalt  }
0x4a: {  	_ =	shalt  }
0x4b: {  	_ =	shalt  }
0x4c: {  	_ =	shalt  }
0x4d: {  	_ =	shalt  }
0x4e: {  	_ =	shalt  }
0x4f: {  	_ =	shalt  }
0x50: {  	_ =	shalt  }
0x51: {  	_ =	shalt  }
0x52: {  	_ =	shalt  }
0x53: {  	_ =	shalt  }
0x54: {  	_ =	shalt  }
0x55: {  	_ =	shalt  }
0x56: {  	_ =	shalt  }
0x57: {  	_ =	shalt  }
0x58: {  	_ =	shalt  }
0x59: {  	_ =	shalt  }
0x5a: {  	_ =	shalt  }
0x5b: {  	_ =	shalt  }
0x5c: {  	_ =	shalt  }
0x5d: {  	_ =	shalt  }
0x5e: {  	_ =	shalt  }
0x5f: {  	_ =	shalt  }
0x60: {  	_ =	shalt  }
0x61: {  	_ =	shalt  }
0x62: {  	_ =	shalt  }
0x63: {  	_ =	shalt  }
0x64: {  	_ =	shalt  }
0x65: {  	_ =	shalt  }
0x66: {  	_ =	shalt  }
0x67: {  	_ =	shalt  }
0x68: {  	_ =	shalt  }
0x69: {  	_ =	shalt  }
0x6a: {  	_ =	shalt  }
0x6b: {  	_ =	shalt  }
0x6c: {  	_ =	shalt  }
0x6d: {  	_ =	shalt  }
0x6e: {  	_ =	shalt  }
0x6f: {  	_ =	shalt  }
0x70: {  	_ =	shalt  }
0x71: {  	_ =	shalt  }
0x72: {  	_ =	shalt  }
0x73: {  	_ =	shalt  }
0x74: {  	_ =	shalt  }
0x75: {  	_ =	shalt  }
0x76: {  	_ =	shalt  }
0x77: {  	_ =	shalt  }
0x78: {  	_ =	shalt  }
0x79: {  	_ =	shalt  }
0x7a: {  	_ =	shalt  }
0x7b: {  	_ =	shalt  }
0x7c: {  	_ =	shalt  }
0x7d: {  	_ =	shalt  }
0x7e: {  	_ =	shalt  }
0x7f: {  	_ =	shalt  }
0x80: {  	_ =	shalt  }
0x81: {  	_ =	shalt  }
0x82: {  	_ =	shalt  }
0x83: {  	_ =	shalt  }
0x84: {  	_ =	shalt  }
0x85: {  	_ =	shalt  }
0x86: {  	_ =	shalt  }
0x87: {  	_ =	shalt  }
.Lfunc_end0:
.L_simem_size_0:
called_computation_lowered:
.L_overlay_start_0:
0x88: {  	s0 =	sld [smem:$0x3FD9]  }
0x89: {  	s1 =	sld [smem:$0x3FFE];
	_ =	sdelay $0x3  }
0x8a: {  	s0 =	sadd.s32 s1, s0  }
0x8b: {  	[smem:$0x3FC6] =	sst s0  }
0x8c: {  	_ = 	snop  }
0x8d: {  	s0 =	sld [smem:$0x3FC9]  }
0x8e: {  	s16 =	sld [smem:$0x3FC8];
	(tm) =	ssettm $0x1  }
0x8f: {  	s2 =	sld [smem:$0x3FFB];
	_ =	sdelay $0x3  }
0x90: {  	_ =	strace s2  }
0x91: {  	s2 =	sld [smem:$0x3FFC];
	_ =	sdelay $0x3  }
0x92: {  	_ =	strace s2  }
0x93: {  	s2 =	sld [smem:$0x3FFD];
	_ =	sdelay $0x3  }
0x94: {  	_ =	strace s2  }
0x95: {  	_ =	strace $0x8FFFFFFF  }
0x96: {  	s17 =	sld [smem:$0x3FDB];
	_ =	sdelay $0x1  }
0x97: {  	s3 =	simm.s32 $_scs_section_size  }
0x98: {  	s4 =	simm.s32 $_size__tile_overlayer_lowered;
	s5 =	simm.s32 $_tile_overlayer_lowered  }
0x99: {  	s20 =	simm.s32 $0x1BFF;
	s19 =	sshll.u32 s5, $0x1;
	s2 =	sadd.s32 s3, s17  }
0x9a: {  	s6 =	simm.s32 $0x0;
	s18 =	sshll.u32 s4, $0x1;
	s4 =	sadd.s32 s19, s2  }
0x9b: {  	[timem:s6], [sflag:s20] =	dma.local [hbm:s4], s18  }
0x9c: {  	_ =	swait.ge [sflag:s20], s18  }
0x9d: {  	s3 =	ssub.s32 $0x0, s18;
	[sflag:s20] =	ssyncset.done $0x0  }
0x9e: {  	[sflag:s20] =	ssyncadd.s32 s3;
	_ =	sdelay $0x1  }
0x9f: {  	s21 =	simm.s32 $0x1B8B  }
0xa0: {  	_ =	swait.ge [sflag:s21], $0x1  }
0xa1: {  	[sflag:s21] =	ssyncset.done $0x0  }
0xa2: {  	s23 =	simm.s32 $0x1B8E;
	s22 =	sld [smem:$0x3FFE];
	[sflag:s21] =	ssyncadd.s32 $0xFFFFFFFF  }
0xa3: {  	s24 =	simm.s32 $execute0_lowered;
	[smem:$0x3FD2] =	sst s23  }
0xa4: {  	s4 =	sshll.u32 s24, $0x1;
	_ =	strace $0x80000046;
	[dreg:$0x1] =	wrdreg $0xFFFFFFFF  }
0xa5: {  	s25 =	simm.s32 $_size_execute0_lowered;
	s2 =	sadd.s32 s2, s4;
	[dreg:$0x0] =	wrdreg $0x0  }
0xa6: {  	s4 =	sshll.u32 s25, $0x1;
	[dreg:$0x2] =	wrdreg s2  }
0xa7: {  	[dreg:$0x3] =	wrdreg s4  }
0xa8: {  	[dreg:$0x4] =	wrdreg $0xC0  }
0xa9: {  	_ =	task [dreg:s6], $0x5FFFF  }
0xaa: {  	[dreg:$0x1] =	wrdreg $0xFFFFFFFF  }
0xab: {  	[dreg:$0x0] =	wrdreg $0x60  }
0xac: {  	[dreg:$0x2] =	wrdreg s0  }
0xad: {  	[dreg:$0x3] =	wrdreg s16  }
0xae: {  	[dreg:$0x4] =	wrdreg s22  }
0xaf: {  	[dreg:$0x5] =	wrdreg $0x9  }
0xb0: {  	_ =	task.clear_ibuf [dreg:s6], $0x6FFFF;
	_ =	strace $0x90000046  }
0xb1: {  	s26 =	simm.s32 $0x9;
	_ =	strace $0x80000048  }
0xb2: {  	_ =	swait.ge [sflag:s26], $0x1  }
0xb3: {  	[sflag:s26] =	ssyncadd.s32 $0xFFFFFFFF  }
0xb4: {  	_ =	strace $0x90000048  }
0xb5: {  	_ =	sfence  }
0xb6: {  	s28 =	sld [smem:$0x0];
	_ =	sdelay $0x1  }
0xb7: {  	s29 =	srdreg.scid  }
0xb8: {  	s30 =	sshll.u32 s29, $0xD;
	s31 =	sshrl.u32 s29, $0x2  }
0xb9: {  	s1 =	sand.u32 $0x1, s29;
	s2 =	sand.u32 $0x4000, s30;
	s0 =	sadd.s32 s31, s28  }
0xba: {  	s1 =	sor.u32 s2, s1;
	s0 =	sshll.u32 s0, $0x11  }
0xbb: {  	s0 =	sor.u32 s0, s1  }
0xbc: {  	s0 =	sadd.s32 $0x8F2B, s0  }
0xbd: {  	[sflag:s0] =	ssyncadd.remote.s32 $0x1  }
0xbe: {  	_ =	sfence.sel $0xFFFF  }
0xbf: {  	[dreg:$0x0] =	wrdreg $0xFFFFFFFF;
	(pc) =	sbr.abs _section_cstart, $3  }
0xc0: {  	[dreg:$0x1] =	wrdreg $0xFFFFFFFF  }
0xc1: {  	_ =	task.clear_ibuf [dreg:s6], $0x2FFFF;
	_ =	strace $0x9FFFFFFF  }
0xc2: {  	(tm) =	ssettm $0x7FFFFFFF  }
0xc3: {  	_ =	shalt  }
tec
execute0_lowered:
.L_overlay_start_1:
0x0: {  	(tag) =	ssettag $0x1  }
0x1: {  	s3 =	rddreg [dreg:$0x0]  }
0x2: {  	s4 =	rddreg [dreg:$0x1]  }
0x3: {  	s5 =	rddreg [dreg:$0x2];
	s2 =	simm.s32 $0x0;
	s1 =	stileid.u32  }
0x4: {  	[smem:$0x7FF] =	sst s2;
	s6 =	sshll.u32 s1, $0xB  }
0x5: {  	s0 =	rddreg [dreg:$0x3];
	_ =	strace $0x80000047;
	s3 =	sadd.s32 s3, s6  }
0x6: {  	[tilespmem:s2], [sflag:$0x1] =	stream.linear.gather [hbm4b:s3+s2], $0x4000, $0x38;
	[tilespmem:$0x8180] =	vst v63  }
0x7: {  	s29 =	simm.s32 $0x4000;
	s30 =	simm.s32 $0x1;
	v0 =	vlaneseq.u32;
	s28 =	sadd.s32 s4, s6  }
0x8: {  	v0 =	vmul.u32 $0x10, v0;
	[tilespmem:s29], [sflag:$0x2] =	stream.linear.gather [hbm4b:s28+s2], $0x4000, $0x38;
	[tilespmem:$0x8180] =	vst v63  }
0x9: {  	_ =	swait.ge [sflag:s30], $0x4000  }
0xa: {  	v1 =	vor.u32 $0x1, v0;
	v2 =	vor.u32 $0x2, v0;
	v3 =	vor.u32 $0x3, v0;
	[sflag:s30] =	ssyncset.done $0x0  }
0xb: {  	s31 =	simm.s32 $0x2;
	v4 =	vor.u32 $0x4, v0;
	v5 =	vor.u32 $0x5, v0;
	v6 =	vor.u32 $0x6, v0;
	[sflag:s30] =	ssyncadd.s32 $0xFFFFC000  }
0xc: {  	v7 =	vor.u32 $0x7, v0;
	v8 =	vor.u32 $0x8, v0;
	v9 =	vor.u32 $0x9, v0;
	_ =	swait.ge [sflag:s31], $0x4000  }
0xd: {  	s4 =	simm.s32 $0x1F0;
	s6 =	simm.s32 $0x8080;
	v10 =	vor.u32 $0xA, v0;
	v11 =	vor.u32 $0xB, v0;
	v12 =	vor.u32 $0xC, v0;
	[sflag:s31] =	ssyncset.done $0x0  }
0xe: {  	s3 =	sadd.s32 $0xA00, s5;
	s5 =	simm.s32 $0x41F0;
	v13 =	vor.u32 $0xD, v0;
	v14 =	vor.u32 $0xE, v0;
	v15 =	vor.u32 $0xF, v0;
	[sflag:s31] =	ssyncadd.s32 $0xFFFFC000  }
.LBB2_1:
0xf: {  	v16 =	vmov s4  }
0x10: {  	v17 =	vmov s5;
	_ =	sdelay $0x1  }
0x11: {  	s7 =	simm.s32 $0x80A0;
	s8 =	simm.s32 $0x0  }
.LBB2_2:
0x12: {  	s9 =	sshra.s32 s8, $0x2  }
0x13: {  	v18 =	vld.idx.msk [tilespmem:v16+s9+$0xFFFFFE10 ss:$0x1], $0xffff  }
0x14: {  	v19 =	vld.idx.msk [tilespmem:v17+s9+$0xFFFFFE10 ss:$0x1], $0xffff  }
0x15: {  	v20 =	vld.idx.msk [tilespmem:v16+s9+$0xFFFFFE20 ss:$0x1], $0xffff  }
0x16: {  	v21 =	vld.idx.msk [tilespmem:v17+s9+$0xFFFFFE20 ss:$0x1], $0xffff  }
0x17: {  	v22 =	vld.idx.msk [tilespmem:v16+s9+$0xFFFFFE30 ss:$0x1], $0xffff  }
0x18: {  	v23 =	vld.idx.msk [tilespmem:v17+s9+$0xFFFFFE30 ss:$0x1], $0xffff  }
0x19: {  	v24 =	vld.idx.msk [tilespmem:v16+s9+$0xFFFFFE40 ss:$0x1], $0xffff  }
0x1a: {  	v25 =	vld.idx.msk [tilespmem:v17+s9+$0xFFFFFE40 ss:$0x1], $0xffff  }
0x1b: {  	v26 =	vld.idx.msk [tilespmem:v16+s9+$0xFFFFFE50 ss:$0x1], $0xffff  }
0x1c: {  	v27 =	vld.idx.msk [tilespmem:v17+s9+$0xFFFFFE50 ss:$0x1], $0xffff  }
0x1d: {  	v28 =	vld.idx.msk [tilespmem:v16+s9+$0xFFFFFE60 ss:$0x1], $0xffff  }
0x1e: {  	v29 =	vld.idx.msk [tilespmem:v17+s9+$0xFFFFFE60 ss:$0x1], $0xffff  }
0x1f: {  	v30 =	vld.idx.msk [tilespmem:v16+s9+$0xFFFFFE70 ss:$0x1], $0xffff  }
0x20: {  	v31 =	vld.idx.msk [tilespmem:v17+s9+$0xFFFFFE70 ss:$0x1], $0xffff  }
0x21: {  	v32 =	vld.idx.msk [tilespmem:v16+s9+$0xFFFFFE80 ss:$0x1], $0xffff  }
0x22: {  	v33 =	vld.idx.msk [tilespmem:v17+s9+$0xFFFFFE80 ss:$0x1], $0xffff;
	_ =	sdelay $0x1  }
0x23: {  	v18 =	vmul.f32 v19, v18;
	v19 =	vmul.f32 v21, v20  }
0x24: {  	v48 =	vmul.f32 v23, v22;
	v49 =	vmul.f32 v25, v24  }
0x25: {  	v50 =	vmul.f32 v27, v26;
	v51 =	vmul.f32 v29, v28  }
0x26: {  	v52 =	vmul.f32 v31, v30;
	v53 =	vmul.f32 v33, v32  }
0x27: {  	v18 =	vadd.f32 v19, v18;
	v19 =	vadd.f32 v49, v48  }
0x28: {  	v54 =	vadd.f32 v51, v50;
	v55 =	vadd.f32 v53, v52;
	_ =	sdelay $0x1  }
0x29: {  	v18 =	vadd.f32 v19, v18;
	v19 =	vadd.f32 v55, v54;
	_ =	sdelay $0x1  }
0x2a: {  	v18 =	vadd.f32 v19, v18;
	_ =	sdelay $0x1  }
0x2b: {  	[tilespmem:s7+$0xFFFFFFE0] =	vst v18  }
0x2c: {  	v18 =	vld.idx.msk [tilespmem:v16+s9+$0xFFFFFE90 ss:$0x1], $0xffff  }
0x2d: {  	v19 =	vld.idx.msk [tilespmem:v17+s9+$0xFFFFFE90 ss:$0x1], $0xffff  }
0x2e: {  	v56 =	vld.idx.msk [tilespmem:v16+s9+$0xFFFFFEA0 ss:$0x1], $0xffff  }
0x2f: {  	v57 =	vld.idx.msk [tilespmem:v17+s9+$0xFFFFFEA0 ss:$0x1], $0xffff  }
0x30: {  	v58 =	vld.idx.msk [tilespmem:v16+s9+$0xFFFFFEB0 ss:$0x1], $0xffff  }
0x31: {  	v59 =	vld.idx.msk [tilespmem:v17+s9+$0xFFFFFEB0 ss:$0x1], $0xffff  }
0x32: {  	v60 =	vld.idx.msk [tilespmem:v16+s9+$0xFFFFFEC0 ss:$0x1], $0xffff  }
0x33: {  	v61 =	vld.idx.msk [tilespmem:v17+s9+$0xFFFFFEC0 ss:$0x1], $0xffff  }
0x34: {  	v62 =	vld.idx.msk [tilespmem:v16+s9+$0xFFFFFED0 ss:$0x1], $0xffff  }
0x35: {  	v63 =	vld.idx.msk [tilespmem:v17+s9+$0xFFFFFED0 ss:$0x1], $0xffff  }
0x36: {  	v36 =	vld.idx.msk [tilespmem:v16+s9+$0xFFFFFEE0 ss:$0x1], $0xffff  }
0x37: {  	v37 =	vld.idx.msk [tilespmem:v17+s9+$0xFFFFFEE0 ss:$0x1], $0xffff  }
0x38: {  	v38 =	vld.idx.msk [tilespmem:v16+s9+$0xFFFFFEF0 ss:$0x1], $0xffff  }
0x39: {  	v39 =	vld.idx.msk [tilespmem:v17+s9+$0xFFFFFEF0 ss:$0x1], $0xffff  }
0x3a: {  	v40 =	vld.idx.msk [tilespmem:v16+s9+$0xFFFFFF00 ss:$0x1], $0xffff  }
0x3b: {  	v41 =	vld.idx.msk [tilespmem:v17+s9+$0xFFFFFF00 ss:$0x1], $0xffff;
	_ =	sdelay $0x1  }
0x3c: {  	v18 =	vmul.f32 v19, v18;
	v19 =	vmul.f32 v57, v56  }
0x3d: {  	v42 =	vmul.f32 v59, v58;
	v43 =	vmul.f32 v61, v60  }
0x3e: {  	v44 =	vmul.f32 v63, v62;
	v45 =	vmul.f32 v37, v36  }
0x3f: {  	v46 =	vmul.f32 v39, v38;
	v47 =	vmul.f32 v41, v40  }
0x40: {  	v18 =	vadd.f32 v19, v18;
	v19 =	vadd.f32 v43, v42  }
0x41: {  	v48 =	vadd.f32 v45, v44;
	v49 =	vadd.f32 v47, v46;
	_ =	sdelay $0x1  }
0x42: {  	v18 =	vadd.f32 v19, v18;
	v19 =	vadd.f32 v49, v48;
	_ =	sdelay $0x1  }
0x43: {  	v18 =	vadd.f32 v19, v18;
	_ =	sdelay $0x1  }
0x44: {  	[tilespmem:s7+$0xFFFFFFF0] =	vst v18  }
0x45: {  	v18 =	vld.idx.msk [tilespmem:v16+s9+$0xFFFFFF10 ss:$0x1], $0xffff  }
0x46: {  	v19 =	vld.idx.msk [tilespmem:v17+s9+$0xFFFFFF10 ss:$0x1], $0xffff  }
0x47: {  	v50 =	vld.idx.msk [tilespmem:v16+s9+$0xFFFFFF20 ss:$0x1], $0xffff  }
0x48: {  	v51 =	vld.idx.msk [tilespmem:v17+s9+$0xFFFFFF20 ss:$0x1], $0xffff  }
0x49: {  	v52 =	vld.idx.msk [tilespmem:v16+s9+$0xFFFFFF30 ss:$0x1], $0xffff  }
0x4a: {  	v53 =	vld.idx.msk [tilespmem:v17+s9+$0xFFFFFF30 ss:$0x1], $0xffff  }
0x4b: {  	v54 =	vld.idx.msk [tilespmem:v16+s9+$0xFFFFFF40 ss:$0x1], $0xffff  }
0x4c: {  	v55 =	vld.idx.msk [tilespmem:v17+s9+$0xFFFFFF40 ss:$0x1], $0xffff  }
0x4d: {  	v56 =	vld.idx.msk [tilespmem:v16+s9+$0xFFFFFF50 ss:$0x1], $0xffff  }
0x4e: {  	v57 =	vld.idx.msk [tilespmem:v17+s9+$0xFFFFFF50 ss:$0x1], $0xffff  }
0x4f: {  	v58 =	vld.idx.msk [tilespmem:v16+s9+$0xFFFFFF60 ss:$0x1], $0xffff  }
0x50: {  	v59 =	vld.idx.msk [tilespmem:v17+s9+$0xFFFFFF60 ss:$0x1], $0xffff  }
0x51: {  	v60 =	vld.idx.msk [tilespmem:v16+s9+$0xFFFFFF70 ss:$0x1], $0xffff  }
0x52: {  	v61 =	vld.idx.msk [tilespmem:v17+s9+$0xFFFFFF70 ss:$0x1], $0xffff  }
0x53: {  	v62 =	vld.idx.msk [tilespmem:v16+s9+$0xFFFFFF80 ss:$0x1], $0xffff  }
0x54: {  	v63 =	vld.idx.msk [tilespmem:v17+s9+$0xFFFFFF80 ss:$0x1], $0xffff;
	_ =	sdelay $0x1  }
0x55: {  	v18 =	vmul.f32 v19, v18;
	v19 =	vmul.f32 v51, v50  }
0x56: {  	v34 =	vmul.f32 v53, v52;
	v35 =	vmul.f32 v55, v54  }
0x57: {  	v36 =	vmul.f32 v57, v56;
	v37 =	vmul.f32 v59, v58  }
0x58: {  	v38 =	vmul.f32 v61, v60;
	v39 =	vmul.f32 v63, v62  }
0x59: {  	v18 =	vadd.f32 v19, v18;
	v19 =	vadd.f32 v35, v34  }
0x5a: {  	v40 =	vadd.f32 v37, v36;
	v41 =	vadd.f32 v39, v38;
	_ =	sdelay $0x1  }
0x5b: {  	v18 =	vadd.f32 v19, v18;
	v19 =	vadd.f32 v41, v40;
	_ =	sdelay $0x1  }
0x5c: {  	v18 =	vadd.f32 v19, v18;
	_ =	sdelay $0x1  }
0x5d: {  	[tilespmem:s7+$0x0] =	vst v18  }
0x5e: {  	v18 =	vld.idx.msk [tilespmem:v16+s9+$0xFFFFFF90 ss:$0x1], $0xffff  }
0x5f: {  	v19 =	vld.idx.msk [tilespmem:v17+s9+$0xFFFFFF90 ss:$0x1], $0xffff  }
0x60: {  	v42 =	vld.idx.msk [tilespmem:v16+s9+$0xFFFFFFA0 ss:$0x1], $0xffff  }
0x61: {  	v43 =	vld.idx.msk [tilespmem:v17+s9+$0xFFFFFFA0 ss:$0x1], $0xffff  }
0x62: {  	v44 =	vld.idx.msk [tilespmem:v16+s9+$0xFFFFFFB0 ss:$0x1], $0xffff  }
0x63: {  	v45 =	vld.idx.msk [tilespmem:v17+s9+$0xFFFFFFB0 ss:$0x1], $0xffff  }
0x64: {  	v46 =	vld.idx.msk [tilespmem:v16+s9+$0xFFFFFFC0 ss:$0x1], $0xffff  }
0x65: {  	v47 =	vld.idx.msk [tilespmem:v17+s9+$0xFFFFFFC0 ss:$0x1], $0xffff  }
0x66: {  	v48 =	vld.idx.msk [tilespmem:v16+s9+$0xFFFFFFD0 ss:$0x1], $0xffff  }
0x67: {  	v49 =	vld.idx.msk [tilespmem:v17+s9+$0xFFFFFFD0 ss:$0x1], $0xffff  }
0x68: {  	v50 =	vld.idx.msk [tilespmem:v16+s9+$0xFFFFFFE0 ss:$0x1], $0xffff  }
0x69: {  	v51 =	vld.idx.msk [tilespmem:v17+s9+$0xFFFFFFE0 ss:$0x1], $0xffff  }
0x6a: {  	v52 =	vld.idx.msk [tilespmem:v16+s9+$0xFFFFFFF0 ss:$0x1], $0xffff  }
0x6b: {  	v53 =	vld.idx.msk [tilespmem:v17+s9+$0xFFFFFFF0 ss:$0x1], $0xffff  }
0x6c: {  	v54 =	vld.idx.msk [tilespmem:v16+s9+$0x0 ss:$0x1], $0xffff  }
0x6d: {  	v55 =	vld.idx.msk [tilespmem:v17+s9+$0x0 ss:$0x1], $0xffff;
	_ =	sdelay $0x1  }
0x6e: {  	v18 =	vmul.f32 v19, v18;
	v19 =	vmul.f32 v43, v42  }
0x6f: {  	v56 =	vmul.f32 v45, v44;
	v57 =	vmul.f32 v47, v46  }
0x70: {  	v58 =	vmul.f32 v49, v48;
	v59 =	vmul.f32 v51, v50  }
0x71: {  	v60 =	vmul.f32 v53, v52;
	v61 =	vmul.f32 v55, v54  }
0x72: {  	v18 =	vadd.f32 v19, v18;
	v19 =	vadd.f32 v57, v56  }
0x73: {  	v62 =	vadd.f32 v59, v58;
	v63 =	vadd.f32 v61, v60  }
0x74: {  	p0 =	sne.s32 s8, $0x1800  }
.Ltmp0:
0x75: {  	v18 =	vadd.f32 v19, v18;
	v19 =	vadd.f32 v63, v62;
	(pc) =	sbr.rel @p0 .LBB2_2-.Ltmp0, $3  }
0x76: {  	_ = 	snop  }
0x77: {  	v18 =	vadd.f32 v19, v18;
	_ =	sdelay $0x1  }
0x78: {  	s8 =	sadd.s32 $0x800, s8;
	[tilespmem:s7+$0x10] =	vst v18;
	s7 =	sadd.s32 $0x40, s7  }
0x79: {  	_ =	sdelay $0x3  }
0x7a: {  	v16 =	vld.idx.msk [tilespmem:v0+s6+$0x0], $0xffff  }
0x7b: {  	v17 =	vld.idx.msk [tilespmem:v1+s6+$0x0], $0xffff  }
0x7c: {  	v18 =	vld.idx.msk [tilespmem:v2+s6+$0x0], $0xffff  }
0x7d: {  	v19 =	vld.idx.msk [tilespmem:v3+s6+$0x0], $0xffff  }
0x7e: {  	v20 =	vld.idx.msk [tilespmem:v4+s6+$0x0], $0xffff  }
0x7f: {  	v21 =	vld.idx.msk [tilespmem:v5+s6+$0x0], $0xffff  }
0x80: {  	v22 =	vld.idx.msk [tilespmem:v6+s6+$0x0], $0xffff  }
0x81: {  	v23 =	vld.idx.msk [tilespmem:v7+s6+$0x0], $0xffff  }
0x82: {  	v24 =	vld.idx.msk [tilespmem:v8+s6+$0x0], $0xffff  }
0x83: {  	v25 =	vld.idx.msk [tilespmem:v9+s6+$0x0], $0xffff  }
0x84: {  	v26 =	vld.idx.msk [tilespmem:v10+s6+$0x0], $0xffff  }
0x85: {  	v27 =	vld.idx.msk [tilespmem:v11+s6+$0x0], $0xffff  }
0x86: {  	v28 =	vld.idx.msk [tilespmem:v12+s6+$0x0], $0xffff  }
0x87: {  	v29 =	vld.idx.msk [tilespmem:v13+s6+$0x0], $0xffff  }
0x88: {  	v30 =	vld.idx.msk [tilespmem:v14+s6+$0x0], $0xffff  }
0x89: {  	v31 =	vld.idx.msk [tilespmem:v15+s6+$0x0], $0xffff;
	_ =	sdelay $0x1  }
0x8a: {  	v16 =	vadd.f32 v17, v16;
	v17 =	vadd.f32 v19, v18  }
0x8b: {  	v56 =	vadd.f32 v21, v20;
	v57 =	vadd.f32 v23, v22  }
0x8c: {  	v58 =	vadd.f32 v25, v24;
	v59 =	vadd.f32 v27, v26  }
0x8d: {  	v60 =	vadd.f32 v29, v28;
	v61 =	vadd.f32 v31, v30  }
0x8e: {  	v16 =	vadd.f32 v17, v16;
	v17 =	vadd.f32 v57, v56  }
0x8f: {  	s7 =	sshll.u32 s2, $0x4;
	s2 =	sadd.s32 $0x1, s2;
	v62 =	vadd.f32 v59, v58;
	v63 =	vadd.f32 v61, v60  }
0x90: {  	p0 =	sne.s32 s2, $0x8  }
.Ltmp1:
0x91: {  	v16 =	vadd.f32 v17, v16;
	v17 =	vadd.f32 v63, v62;
	(pc) =	sbr.rel @p0 .LBB2_1-.Ltmp1, $4  }
0x92: {  	_ = 	snop  }
0x93: {  	v16 =	vadd.f32 v17, v16  }
0x94: {  	s7 =	sand.u32 $0x3FFFFFF0, s7  }
0x95: {  	s4 =	sadd.s32 $0x800, s4;
	s5 =	sadd.s32 $0x800, s5;
	[tilespmem:s7+$0x8000] =	vst v16  }
0x96: {  	s2 =	sshll.u32 s1, $0x4;
	s30 =	simm.s32 $0x0  }
0x97: {  	s4 =	simm.s32 $0x8000;
	s31 =	simm.s32 $0x3;
	s2 =	sadd.s32 s3, s2  }
0x98: {  	[hbm4b:s2+s30] =	stream.linear.scatter [tilespmem:s4], [sflag:$0x3], $0x80, $0x38;
	[tilespmem:$0x8180] =	vst v63  }
0x99: {  	_ =	swait.ge [sflag:s31], $0x80  }
0x9a: {  	[sflag:s31] =	ssyncset.done $0x0  }
0x9b: {  	[sflag:s31] =	ssyncadd.s32 $0xFFFFFF80  }
0x9c: {  	_ =	sfence.sel $0x180000  }
0x9d: {  	[bflag:$0x0] =	sbarrier.arrive $0xFFFF  }
0x9e: {  	p0 =	sne.s32 s1, $0x0;
	_ =	strace $0x90000047  }
0x9f: {  	s0 =	sadd.s32 @!p0 $0x100000, s0;
	[bflag:$0x2] =	sbarrier.arrive $0xFFFF  }
0xa0: {  	[sflag:s0] =	ssyncadd.tile.s32 @!p0 $0x1;
	_ =	shalt  }
.Lfunc_end2:
_tile_overlayer_lowered:
.L_overlay_start_2:
0xa1: {  	(tag) =	ssettag $0x2  }
0xa2: {  	s0 =	rddreg [dreg:$0x0];
	s2 =	stileid.u32  }
0xa3: {  	s1 =	rddreg [dreg:$0x1];
	p0 =	sne.s32 s2, $0x0  }
0xa4: {  	s3 =	rddreg [dreg:$0x2];
	[bflag:$0x3] =	sbarrier.arrive $0xFFFF;
	s2 =	simm.s32 @!p0 $0x1C03  }
0xa5: {  	[timem:s3], [sflag:s2] =	dma.local @!p0 [hbm:s0], s1  }
0xa6: {  	s0 =	simm.s32 @!p0 $0x3  }
0xa7: {  	_ =	swait.ge @!p0 [sflag:s0], s1  }
0xa8: {  	s1 =	ssub.s32 @!p0 $0x0, s1;
	[sflag:s0] =	ssyncset.done @!p0 $0x0  }
0xa9: {  	[sflag:s0] =	ssyncadd.s32 @!p0 s1  }
0xaa: {  	[bflag:$0x3] =	sbarrier.arrive $0xFFFF  }
0xab: {  	_ =	shalt  }

</sc_bundles>
